<compile_context>
chip_gen: v7x
topology: tpu7x:2x2x1
jax: 0.10.2.dev20260603
libtpu: 0.0.44.dev20260713+nightly
codegen_flags: <defaults>
</compile_context>

<pallas_src>
import functools

import jax
import jax.numpy as jnp
from jax import lax
from jax.experimental import pallas as pl
from jax.experimental.pallas import tpu as pltpu
from jax.experimental.pallas import tpu_sc as plsc

_NT = 512
_KT = 4096


def _argmin_body(zn_ref, z_ref, w_ref, wn_ref, idx_ref, loss_ref,
                 runmin_ref, runval_ref, runidx_ref, acc_ref, *, precision):
    n = pl.program_id(0)
    k = pl.program_id(1)
    z = z_ref[...]
    w = w_ref[...]
    dot = lax.dot_general(z, w, (((1,), (1,)), ((), ())),
                          precision=precision,
                          preferred_element_type=jnp.float32)
    sq = (zn_ref[...] - 2.0 * dot) + wn_ref[...]
    minsq = jnp.min(sq, axis=1, keepdims=True)
    lmin = jnp.sqrt(minsq)
    T = minsq
    for _ in range(4):
        Tn = lax.bitcast_convert_type(
            lax.bitcast_convert_type(T, jnp.int32) + 1, jnp.float32)
        T = jnp.where(jnp.sqrt(Tn) == lmin, Tn, T)
    cols = lax.broadcasted_iota(jnp.int32, sq.shape, 1)
    larg = jnp.min(jnp.where(sq <= T, cols, jnp.int32(2147483647)),
                   axis=1, keepdims=True) + k * _KT
    lmin_b16 = lmin.astype(jnp.bfloat16).astype(jnp.float32)

    @pl.when(k == 0)
    def _():
        runmin_ref[...] = jnp.full_like(lmin, jnp.inf)
        runval_ref[...] = jnp.full_like(lmin, jnp.inf)
        runidx_ref[...] = jnp.zeros_like(larg)

    better = lmin < runmin_ref[...]
    runidx_ref[...] = jnp.where(better, larg, runidx_ref[...])
    runmin_ref[...] = jnp.where(better, lmin_b16, runmin_ref[...])
    runval_ref[...] = jnp.where(better, lmin, runval_ref[...])

    @pl.when(k == pl.num_programs(1) - 1)
    def _():
        idx_ref[...] = runidx_ref[...]
        part = jnp.sum(runval_ref[...] ** 2)

        @pl.when(n == 0)
        def _():
            acc_ref[0] = part

        @pl.when(n != 0)
        def _():
            acc_ref[0] = acc_ref[0] + part

        @pl.when(n == pl.num_programs(0) - 1)
        def _():
            loss_ref[0, 0] = acc_ref[0]


def _argmin_call(z_flat, W, zn, wn, interpret=False,
                 precision=lax.Precision.DEFAULT):
    N, C = z_flat.shape
    K = W.shape[0]
    grid = (N // _NT, K // _KT)
    return pl.pallas_call(
        functools.partial(_argmin_body, precision=precision),
        grid=grid,
        in_specs=[
            pl.BlockSpec((_NT, 1), lambda n, k: (n, 0)),
            pl.BlockSpec((_NT, C), lambda n, k: (n, 0)),
            pl.BlockSpec((_KT, C), lambda n, k: (k, 0)),
            pl.BlockSpec((1, _KT), lambda n, k: (0, k)),
        ],
        out_specs=[
            pl.BlockSpec((_NT, 1), lambda n, k: (n, 0)),
            pl.BlockSpec((1, 1), lambda n, k: (0, 0),
                         memory_space=pltpu.SMEM),
        ],
        out_shape=[
            jax.ShapeDtypeStruct((N, 1), jnp.int32),
            jax.ShapeDtypeStruct((1, 1), jnp.float32),
        ],
        scratch_shapes=[
            pltpu.VMEM((_NT, 1), jnp.float32),
            pltpu.VMEM((_NT, 1), jnp.float32),
            pltpu.VMEM((_NT, 1), jnp.int32),
            pltpu.SMEM((1,), jnp.float32),
        ],
        interpret=interpret,
    )(zn, z_flat, W, wn)


def _gather_rows(table, idx):
    V, D0 = table.shape
    table = jnp.pad(table, ((0, 0), (0, 128 - D0)))
    D = 128
    B = idx.shape[0]
    info = plsc.get_sparse_core_info()
    NW = info.num_cores * info.num_subcores
    b_per_w = B // NW
    CH = b_per_w // 128
    idx2d = idx.reshape(B // 128, 128)
    mesh = plsc.VectorSubcoreMesh(core_axis_name="c", subcore_axis_name="s")

    @functools.partial(
        pl.kernel, mesh=mesh,
        out_type=jax.ShapeDtypeStruct((B, D), jnp.float32),
        scratch_types=[
            pltpu.VMEM((CH, 128), jnp.int32),
            pltpu.VMEM((b_per_w, D), jnp.float32),
            pltpu.SemaphoreType.DMA,
        ],
    )
    def _gather(table_hbm, idx_hbm, out_hbm, idx_v, rows_v, sem):
        wid = lax.axis_index("s") * info.num_cores + lax.axis_index("c")
        pltpu.sync_copy(idx_hbm.at[pl.ds(wid * CH, CH)], idx_v)
        copies = [
            pltpu.async_copy(table_hbm.at[idx_v.at[c]],
                             rows_v.at[pl.ds(c * 128, 128)], sem)
            for c in range(CH)
        ]
        for cp in copies:
            cp.wait()
        pltpu.sync_copy(rows_v, out_hbm.at[pl.ds(wid * b_per_w, b_per_w)])

    return _gather(table, idx2d)[:, :D0]


def kernel(z_e, W, beta):
    Bz, C, H, Wd = z_e.shape
    K = W.shape[0]
    N = Bz * H * Wd
    z_perm = jnp.transpose(z_e, (0, 2, 3, 1))
    z_flat = z_perm.reshape(N, C)
    zn = jnp.sum(z_flat ** 2, axis=1, keepdims=True)
    wn = jnp.sum(W ** 2, axis=1)[None, :]
    idx, loss_sum = _argmin_call(z_flat, W, zn, wn)
    zq_flat = _gather_rows(W, idx.reshape(N))
    m = loss_sum[0, 0] / (N * C)
    loss_vq = m + m * beta
    z_q = jnp.transpose(zq_flat.reshape(Bz, H, Wd, C), (0, 3, 1, 2))
    return (z_q, idx, loss_vq)

# --- scband reference (transcript-rebuilt; emitter-appended) ---
"""Pipeline reference for scband-vq-3006477107443 (READ-ONLY COPY).

The authoritative reference and input builder live on the scoring server;
editing this copy changes nothing except your own understanding.
"""

import jax, jax.numpy as jnp
import numpy as np


def setup_inputs(seed: int = 0) -> dict:
    key = jax.random.key(seed)
    k1, k2 = jax.random.split(key)
    z_e = jax.random.normal(k1, (8, 32, 32, 32), dtype=jnp.float32)
    W = jax.random.normal(k2, (8192, 32), dtype=jnp.float32) * 0.02
    return {"z_e": z_e, "W": W, "beta": 0.25}


def reference(z_e, W, beta):
    # z_e: [B, C, H, W] with C == code_dim
    z_perm = jnp.transpose(z_e, (0, 2, 3, 1))  # [B, H, W, C]
    z_flat = z_perm.reshape(-1, W.shape[1])    # [N, C]
    # torch.cdist (p=2 Euclidean)
    sq = (jnp.sum(z_flat ** 2, axis=1, keepdims=True)
          - 2.0 * (z_flat @ W.T)
          + jnp.sum(W ** 2, axis=1)[None, :])
    d = jnp.sqrt(jnp.maximum(sq, 0.0))         # [N, K]
    codebook_idx = jnp.argmin(d, axis=1)[:, None]  # [N, 1]
    # one-hot encodings + matmul (faithful to scatter_ + matmul in torch)
    encodings = jax.nn.one_hot(codebook_idx[:, 0], W.shape[0], dtype=z_flat.dtype)  # [N, K]
    z_quant = (encodings @ W).reshape(z_perm.shape)  # [B, H, W, C]
    # straight-through estimator
    z_q = jnp.transpose(z_perm + jax.lax.stop_gradient(z_quant - z_perm), (0, 3, 1, 2))
    loss_codebook = jnp.mean((z_quant - jax.lax.stop_gradient(z_perm)) ** 2)
    loss_commit = jnp.mean((jax.lax.stop_gradient(z_quant) - z_perm) ** 2)
    loss_vq = loss_codebook + loss_commit * beta
    return (z_q, codebook_idx, loss_vq)

if __name__ == "__main__":
    import jax
    _d = setup_inputs()
    print(jax.jit(kernel)(*tuple(_d.values())))

</pallas_src>

<mosaic_0001>
#map = affine_map<(d0, d1) -> (0, 0)>
module attributes {stable_mosaic.version = 14 : i64} {
  func.func @_gather(%arg0: i32, %arg1: i32, %arg2: memref<8192x128xf32, #tpu.memory_space<hbm>>, %arg3: memref<64x128xi32, #tpu.memory_space<hbm>>, %arg4: memref<8192x128xf32, #tpu.memory_space<hbm>>, %arg5: memref<2x128xi32, #tpu.memory_space<vmem>>, %arg6: memref<256x128xf32, #tpu.memory_space<vmem>>, %arg7: memref<!tpu.dma_semaphore, #tpu.memory_space<semaphore_mem>>) attributes {dimension_semantics = [#tpu.dimension_semantics<core_parallel>, #tpu.dimension_semantics<subcore_parallel>], iteration_bounds = array<i64: 2, 16>, scalar_prefetch = 0 : i64, scratch_operands = 3 : i64, tpu.core_type = #tpu.core_type<sc_vector_subcore>, window_params = [{transform_indices = #map}, {transform_indices = #map}, {transform_indices = #map}]} {
    %mul3A = arith.constant 2 : i32
    %mul3A_0 = arith.muli %arg1, %mul3A : i32
    %add3A = arith.addi %mul3A_0, %arg0 : i32
    %mul3A_1 = arith.constant 2 : i32
    %mul3A_2 = arith.muli %add3A, %mul3A_1 : i32
    "tpu.region"() ({
      %run_scoped3A = tpu.sem_alloc : memref<!tpu.dma_semaphore, #tpu.memory_space<semaphore_mem>>
      %dma_start3A_43 = arith.constant 0 : i32
      %dma_start3A_44 = tpu.memref_slice %arg3[%mul3A_2, %dma_start3A_43] : memref<64x128xi32, #tpu.memory_space<hbm>> -> memref<2x128xi32, #tpu.memory_space<hbm>>
      %dma_start3A_45 = arith.constant 0 : i32
      %dma_start3A_46 = tpu.memref_slice %arg3[%mul3A_2, %dma_start3A_45] : memref<64x128xi32, #tpu.memory_space<hbm>> -> memref<2x128xi32, #tpu.memory_space<hbm>>
      tpu.enqueue_dma source(%dma_start3A_46 : memref<2x128xi32, #tpu.memory_space<hbm>>) target(%arg5 : memref<2x128xi32, #tpu.memory_space<vmem>>) target_semaphore(%run_scoped3A : memref<!tpu.dma_semaphore, #tpu.memory_space<semaphore_mem>>)
      %dma_wait3A_47 = arith.constant 0 : i32
      %dma_wait3A_48 = tpu.memref_slice %arg3[%mul3A_2, %dma_wait3A_47] : memref<64x128xi32, #tpu.memory_space<hbm>> -> memref<2x128xi32, #tpu.memory_space<hbm>>
      %dma_wait3A_49 = arith.constant 0 : i32
      %dma_wait3A_50 = tpu.memref_slice %arg3[%mul3A_2, %dma_wait3A_49] : memref<64x128xi32, #tpu.memory_space<hbm>> -> memref<2x128xi32, #tpu.memory_space<hbm>>
      tpu.wait_dma2 semaphore(%run_scoped3A : memref<!tpu.dma_semaphore, #tpu.memory_space<semaphore_mem>>) src(%dma_wait3A_50 : memref<2x128xi32, #tpu.memory_space<hbm>>) dst(%arg5 : memref<2x128xi32, #tpu.memory_space<vmem>>)
      tpu.yield
    }) : () -> ()
    %dma_start3A = arith.constant 0 : i32
    %dma_start3A_3 = arith.constant 0 : i32
    %dma_start3A_4 = arith.constant 0 : i32
    %dma_start3A_5 = tpu.memref_slice %arg6[%dma_start3A_3, %dma_start3A_4] : memref<256x128xf32, #tpu.memory_space<vmem>> -> memref<128x128xf32, #tpu.memory_space<vmem>>
    %dma_start3A_6 = arith.constant 0 : i32
    %dma_start3A_7 = tpu.memref_slice %arg5[%dma_start3A, %dma_start3A_6] : memref<2x128xi32, #tpu.memory_space<vmem>> -> memref<1x128xi32, #tpu.memory_space<vmem>>
    %dma_start3A_8 = tpu.memref_squeeze %dma_start3A_7 : memref<1x128xi32, #tpu.memory_space<vmem>> -> memref<128xi32, #tpu.memory_space<vmem>>
    %dma_start3A_9 = arith.constant 0 : i32
    %dma_start3A_10 = arith.constant 0 : i32
    %dma_start3A_11 = tpu.memref_slice %arg2[%dma_start3A_9, %dma_start3A_10] : memref<8192x128xf32, #tpu.memory_space<hbm>> -> memref<8192x128xf32, #tpu.memory_space<hbm>>
    tpu.enqueue_indirect_dma source(%dma_start3A_11 : memref<8192x128xf32, #tpu.memory_space<hbm>>) target(%dma_start3A_5 : memref<128x128xf32, #tpu.memory_space<vmem>>) offsets(%dma_start3A_8 : memref<128xi32, #tpu.memory_space<vmem>>) semaphore(%arg7 : memref<!tpu.dma_semaphore, #tpu.memory_space<semaphore_mem>>)
    %dma_start3A_12 = arith.constant 1 : i32
    %dma_start3A_13 = arith.constant 128 : i32
    %dma_start3A_14 = arith.constant 0 : i32
    %dma_start3A_15 = tpu.memref_slice %arg6[%dma_start3A_13, %dma_start3A_14] : memref<256x128xf32, #tpu.memory_space<vmem>> -> memref<128x128xf32, #tpu.memory_space<vmem>>
    %dma_start3A_16 = arith.constant 0 : i32
    %dma_start3A_17 = tpu.memref_slice %arg5[%dma_start3A_12, %dma_start3A_16] : memref<2x128xi32, #tpu.memory_space<vmem>> -> memref<1x128xi32, #tpu.memory_space<vmem>>
    %dma_start3A_18 = tpu.memref_squeeze %dma_start3A_17 : memref<1x128xi32, #tpu.memory_space<vmem>> -> memref<128xi32, #tpu.memory_space<vmem>>
    %dma_start3A_19 = arith.constant 0 : i32
    %dma_start3A_20 = arith.constant 0 : i32
    %dma_start3A_21 = tpu.memref_slice %arg2[%dma_start3A_19, %dma_start3A_20] : memref<8192x128xf32, #tpu.memory_space<hbm>> -> memref<8192x128xf32, #tpu.memory_space<hbm>>
    tpu.enqueue_indirect_dma source(%dma_start3A_21 : memref<8192x128xf32, #tpu.memory_space<hbm>>) target(%dma_start3A_15 : memref<128x128xf32, #tpu.memory_space<vmem>>) offsets(%dma_start3A_18 : memref<128xi32, #tpu.memory_space<vmem>>) semaphore(%arg7 : memref<!tpu.dma_semaphore, #tpu.memory_space<semaphore_mem>>)
    %dma_wait3A = arith.constant 0 : i32
    %dma_wait3A_22 = arith.constant 0 : i32
    %dma_wait3A_23 = arith.constant 0 : i32
    %dma_wait3A_24 = tpu.memref_slice %arg6[%dma_wait3A_22, %dma_wait3A_23] : memref<256x128xf32, #tpu.memory_space<vmem>> -> memref<128x128xf32, #tpu.memory_space<vmem>>
    %dma_wait3A_25 = arith.constant 0 : i32
    %dma_wait3A_26 = tpu.memref_slice %arg5[%dma_wait3A, %dma_wait3A_25] : memref<2x128xi32, #tpu.memory_space<vmem>> -> memref<1x128xi32, #tpu.memory_space<vmem>>
    %dma_wait3A_27 = tpu.memref_squeeze %dma_wait3A_26 : memref<1x128xi32, #tpu.memory_space<vmem>> -> memref<128xi32, #tpu.memory_space<vmem>>
    %dma_wait3A_28 = arith.constant 0 : i32
    %dma_wait3A_29 = arith.constant 0 : i32
    %dma_wait3A_30 = tpu.memref_slice %arg2[%dma_wait3A_28, %dma_wait3A_29] : memref<8192x128xf32, #tpu.memory_space<hbm>> -> memref<8192x128xf32, #tpu.memory_space<hbm>>
    tpu.wait_indirect_dma semaphore(%arg7 : memref<!tpu.dma_semaphore, #tpu.memory_space<semaphore_mem>>) src(%dma_wait3A_30 : memref<8192x128xf32, #tpu.memory_space<hbm>>) dst(%dma_wait3A_24 : memref<128x128xf32, #tpu.memory_space<vmem>>)
    %dma_wait3A_31 = arith.constant 1 : i32
    %dma_wait3A_32 = arith.constant 128 : i32
    %dma_wait3A_33 = arith.constant 0 : i32
    %dma_wait3A_34 = tpu.memref_slice %arg6[%dma_wait3A_32, %dma_wait3A_33] : memref<256x128xf32, #tpu.memory_space<vmem>> -> memref<128x128xf32, #tpu.memory_space<vmem>>
    %dma_wait3A_35 = arith.constant 0 : i32
    %dma_wait3A_36 = tpu.memref_slice %arg5[%dma_wait3A_31, %dma_wait3A_35] : memref<2x128xi32, #tpu.memory_space<vmem>> -> memref<1x128xi32, #tpu.memory_space<vmem>>
    %dma_wait3A_37 = tpu.memref_squeeze %dma_wait3A_36 : memref<1x128xi32, #tpu.memory_space<vmem>> -> memref<128xi32, #tpu.memory_space<vmem>>
    %dma_wait3A_38 = arith.constant 0 : i32
    %dma_wait3A_39 = arith.constant 0 : i32
    %dma_wait3A_40 = tpu.memref_slice %arg2[%dma_wait3A_38, %dma_wait3A_39] : memref<8192x128xf32, #tpu.memory_space<hbm>> -> memref<8192x128xf32, #tpu.memory_space<hbm>>
    tpu.wait_indirect_dma semaphore(%arg7 : memref<!tpu.dma_semaphore, #tpu.memory_space<semaphore_mem>>) src(%dma_wait3A_40 : memref<8192x128xf32, #tpu.memory_space<hbm>>) dst(%dma_wait3A_34 : memref<128x128xf32, #tpu.memory_space<vmem>>)
    %mul3A_41 = arith.constant 256 : i32
    %mul3A_42 = arith.muli %add3A, %mul3A_41 : i32
    "tpu.region"() ({
      %run_scoped3A = tpu.sem_alloc : memref<!tpu.dma_semaphore, #tpu.memory_space<semaphore_mem>>
      %dma_start3A_43 = arith.constant 0 : i32
      %dma_start3A_44 = tpu.memref_slice %arg4[%mul3A_42, %dma_start3A_43] : memref<8192x128xf32, #tpu.memory_space<hbm>> -> memref<256x128xf32, #tpu.memory_space<hbm>>
      %dma_start3A_45 = arith.constant 0 : i32
      %dma_start3A_46 = tpu.memref_slice %arg4[%mul3A_42, %dma_start3A_45] : memref<8192x128xf32, #tpu.memory_space<hbm>> -> memref<256x128xf32, #tpu.memory_space<hbm>>
      tpu.enqueue_dma source(%arg6 : memref<256x128xf32, #tpu.memory_space<vmem>>) target(%dma_start3A_46 : memref<256x128xf32, #tpu.memory_space<hbm>>) target_semaphore(%run_scoped3A : memref<!tpu.dma_semaphore, #tpu.memory_space<semaphore_mem>>)
      %dma_wait3A_47 = arith.constant 0 : i32
      %dma_wait3A_48 = tpu.memref_slice %arg4[%mul3A_42, %dma_wait3A_47] : memref<8192x128xf32, #tpu.memory_space<hbm>> -> memref<256x128xf32, #tpu.memory_space<hbm>>
      %dma_wait3A_49 = arith.constant 0 : i32
      %dma_wait3A_50 = tpu.memref_slice %arg4[%mul3A_42, %dma_wait3A_49] : memref<8192x128xf32, #tpu.memory_space<hbm>> -> memref<256x128xf32, #tpu.memory_space<hbm>>
      tpu.wait_dma2 semaphore(%run_scoped3A : memref<!tpu.dma_semaphore, #tpu.memory_space<semaphore_mem>>) src(%arg6 : memref<256x128xf32, #tpu.memory_space<vmem>>) dst(%dma_wait3A_50 : memref<256x128xf32, #tpu.memory_space<hbm>>)
      tpu.yield
    }) : () -> ()
    return
  }
}

module attributes {stable_mosaic.version = 14 : i64} {
  func.func @_argmin_body(%arg0: i32, %arg1: i32, %arg2: memref<512x1xf32, #tpu.memory_space<vmem>>, %arg3: memref<512x32xf32, #tpu.memory_space<vmem>>, %arg4: memref<4096x32xf32, #tpu.memory_space<vmem>>, %arg5: memref<1x4096xf32, #tpu.memory_space<vmem>>, %arg6: memref<512x1xi32, #tpu.memory_space<vmem>>, %arg7: memref<1x1xf32, #tpu.memory_space<smem>>, %arg8: memref<512x1xf32, #tpu.memory_space<vmem>>, %arg9: memref<512x1xf32, #tpu.memory_space<vmem>>, %arg10: memref<512x1xi32, #tpu.memory_space<vmem>>, %arg11: memref<1xf32, #tpu.memory_space<smem>>) attributes {dimension_semantics = [#tpu.dimension_semantics<arbitrary>, #tpu.dimension_semantics<arbitrary>], iteration_bounds = array<i64: 16, 2>, scalar_prefetch = 0 : i64, scratch_operands = 4 : i64, tpu.core_type = #tpu.core_type<tc>, window_params = [{transform_indices = @transform_0, window_bounds = array<i64: 512, 1>}, {transform_indices = @transform_1, window_bounds = array<i64: 512, 32>}, {transform_indices = @transform_2, window_bounds = array<i64: 4096, 32>}, {transform_indices = @transform_3, window_bounds = array<i64: 1, 4096>}, {transform_indices = @transform_4, window_bounds = array<i64: 512, 1>}, {transform_indices = @transform_5, window_bounds = array<i64: 1, 1>}]} {
    %get3A = arith.constant 0 : index
    %get3A_0 = arith.constant 0 : index
    %get3A_1 = vector.load %arg3[%get3A, %get3A_0] : memref<512x32xf32, #tpu.memory_space<vmem>>, vector<512x32xf32>
    %get3A_2 = arith.constant 0 : index
    %get3A_3 = arith.constant 0 : index
    %get3A_4 = vector.load %arg4[%get3A_2, %get3A_3] : memref<4096x32xf32, #tpu.memory_space<vmem>>, vector<4096x32xf32>
    %dot_general3A = arith.constant dense<0.000000e+00> : vector<512x4096xf32>
    %dot_general3A_5 = tpu.matmul %get3A_1, %get3A_4, %dot_general3A {dimension_numbers = #tpu.dot_dimension_numbers<[1], [1], [0], [0], [0, 0, 1, 0], [], []>, transpose_lhs_hint = false} : vector<512x32xf32>, vector<4096x32xf32>, vector<512x4096xf32> -> vector<512x4096xf32>
    %get3A_6 = arith.constant 0 : index
    %get3A_7 = arith.constant 0 : index
    %get3A_8 = vector.load %arg2[%get3A_6, %get3A_7] : memref<512x1xf32, #tpu.memory_space<vmem>>, vector<512x1xf32>
    %mul3A = arith.constant 2.000000e+00 : f32
    %mul3A_9 = vector.broadcast %mul3A : f32 to vector<512x4096xf32>
    %mul3A_10 = arith.mulf %mul3A_9, %dot_general3A_5 : vector<512x4096xf32>
    %sub3A = vector.broadcast %get3A_8 : vector<512x1xf32> to vector<512x4096xf32>
    %sub3A_11 = arith.subf %sub3A, %mul3A_10 : vector<512x4096xf32>
    %get3A_12 = arith.constant 0 : index
    %get3A_13 = arith.constant 0 : index
    %get3A_14 = vector.load %arg5[%get3A_12, %get3A_13] : memref<1x4096xf32, #tpu.memory_space<vmem>>, vector<1x4096xf32>
    %add3A = vector.broadcast %get3A_14 : vector<1x4096xf32> to vector<512x4096xf32>
    %add3A_15 = arith.addf %sub3A_11, %add3A : vector<512x4096xf32>
    %reduce_min3A = arith.constant dense<0x7F800000> : vector<512xf32>
    %reduce_min3A_16 = vector.multi_reduction <minimumf>, %add3A_15, %reduce_min3A [1] : vector<512x4096xf32> to vector<512xf32>
    %broadcast_in_dim3A = vector.shape_cast %reduce_min3A_16 : vector<512xf32> to vector<512x1xf32>
    %sqrt3A = math.sqrt %broadcast_in_dim3A : vector<512x1xf32>
    %bitcast_convert_type3A = tpu.bitcast %broadcast_in_dim3A : vector<512x1xf32> -> vector<512x1xi32>
    %add3A_17 = arith.constant 1 : i32
    %add3A_18 = vector.broadcast %add3A_17 : i32 to vector<512x1xi32>
    %add3A_19 = arith.addi %bitcast_convert_type3A, %add3A_18 : vector<512x1xi32>
    %bitcast_convert_type3A_20 = tpu.bitcast %add3A_19 : vector<512x1xi32> -> vector<512x1xf32>
    %sqrt3A_21 = math.sqrt %bitcast_convert_type3A_20 : vector<512x1xf32>
    %eq3A = arith.cmpf oeq, %sqrt3A_21, %sqrt3A : vector<512x1xf32>
    %select_n3A = arith.select %eq3A, %bitcast_convert_type3A_20, %broadcast_in_dim3A : vector<512x1xi1>, vector<512x1xf32>
    %bitcast_convert_type3A_22 = tpu.bitcast %select_n3A : vector<512x1xf32> -> vector<512x1xi32>
    %add3A_23 = arith.constant 1 : i32
    %add3A_24 = vector.broadcast %add3A_23 : i32 to vector<512x1xi32>
    %add3A_25 = arith.addi %bitcast_convert_type3A_22, %add3A_24 : vector<512x1xi32>
    %bitcast_convert_type3A_26 = tpu.bitcast %add3A_25 : vector<512x1xi32> -> vector<512x1xf32>
    %sqrt3A_27 = math.sqrt %bitcast_convert_type3A_26 : vector<512x1xf32>
    %eq3A_28 = arith.cmpf oeq, %sqrt3A_27, %sqrt3A : vector<512x1xf32>
    %select_n3A_29 = arith.select %eq3A_28, %bitcast_convert_type3A_26, %select_n3A : vector<512x1xi1>, vector<512x1xf32>
    %bitcast_convert_type3A_30 = tpu.bitcast %select_n3A_29 : vector<512x1xf32> -> vector<512x1xi32>
    %add3A_31 = arith.constant 1 : i32
    %add3A_32 = vector.broadcast %add3A_31 : i32 to vector<512x1xi32>
    %add3A_33 = arith.addi %bitcast_convert_type3A_30, %add3A_32 : vector<512x1xi32>
    %bitcast_convert_type3A_34 = tpu.bitcast %add3A_33 : vector<512x1xi32> -> vector<512x1xf32>
    %sqrt3A_35 = math.sqrt %bitcast_convert_type3A_34 : vector<512x1xf32>
    %eq3A_36 = arith.cmpf oeq, %sqrt3A_35, %sqrt3A : vector<512x1xf32>
    %select_n3A_37 = arith.select %eq3A_36, %bitcast_convert_type3A_34, %select_n3A_29 : vector<512x1xi1>, vector<512x1xf32>
    %bitcast_convert_type3A_38 = tpu.bitcast %select_n3A_37 : vector<512x1xf32> -> vector<512x1xi32>
    %add3A_39 = arith.constant 1 : i32
    %add3A_40 = vector.broadcast %add3A_39 : i32 to vector<512x1xi32>
    %add3A_41 = arith.addi %bitcast_convert_type3A_38, %add3A_40 : vector<512x1xi32>
    %bitcast_convert_type3A_42 = tpu.bitcast %add3A_41 : vector<512x1xi32> -> vector<512x1xf32>
    %sqrt3A_43 = math.sqrt %bitcast_convert_type3A_42 : vector<512x1xf32>
    %eq3A_44 = arith.cmpf oeq, %sqrt3A_43, %sqrt3A : vector<512x1xf32>
    %select_n3A_45 = arith.select %eq3A_44, %bitcast_convert_type3A_42, %select_n3A_37 : vector<512x1xi1>, vector<512x1xf32>
    %iota3A = tpu.iota {dimensions = array<i32: 1>} : vector<512x4096xi32>
    %le3A = vector.broadcast %select_n3A_45 : vector<512x1xf32> to vector<512x4096xf32>
    %le3A_46 = arith.cmpf ole, %add3A_15, %le3A : vector<512x4096xf32>
    %jit3A = arith.constant 2147483647 : i32
    %broadcast_in_dim3A_47 = vector.broadcast %jit3A : i32 to vector<512x4096xi32>
    %select_n3A_48 = arith.select %le3A_46, %iota3A, %broadcast_in_dim3A_47 : vector<512x4096xi1>, vector<512x4096xi32>
    %reduce_min3A_49 = arith.constant dense<2147483647> : vector<512xi32>
    %reduce_min3A_50 = vector.multi_reduction <minsi>, %select_n3A_48, %reduce_min3A_49 [1] : vector<512x4096xi32> to vector<512xi32>
    %broadcast_in_dim3A_51 = vector.shape_cast %reduce_min3A_50 : vector<512xi32> to vector<512x1xi32>
    %mul3A_52 = arith.constant 4096 : i32
    %mul3A_53 = arith.muli %arg1, %mul3A_52 : i32
    %add3A_54 = vector.broadcast %mul3A_53 : i32 to vector<512x1xi32>
    %add3A_55 = arith.addi %broadcast_in_dim3A_51, %add3A_54 : vector<512x1xi32>
    %convert_element_type3A = arith.truncf %sqrt3A : vector<512x1xf32> to vector<512x1xbf16>
    %convert_element_type3A_56 = arith.extf %convert_element_type3A : vector<512x1xbf16> to vector<512x1xf32>
    %eq3A_57 = arith.constant 0 : i32
    %eq3A_58 = arith.cmpi eq, %arg1, %eq3A_57 : i32
    %convert_element_type3A_59 = arith.extui %eq3A_58 : i1 to i32
    %cond3A = arith.constant 0 : i32
    %cond3A_60 = arith.cmpi ne, %convert_element_type3A_59, %cond3A : i32
    scf.if %cond3A_60 {
      %broadcast_in_dim3A_89 = arith.constant 0x7F800000 : f32
      %broadcast_in_dim3A_90 = vector.broadcast %broadcast_in_dim3A_89 : f32 to vector<512x1xf32>
      %swap3A_91 = arith.constant 0 : index
      %swap3A_92 = arith.constant 0 : index
      %swap3A_93 = vector.load %arg8[%swap3A_91, %swap3A_92] : memref<512x1xf32, #tpu.memory_space<vmem>>, vector<512x1xf32>
      tpu.vector_store %arg8[%swap3A_91, %swap3A_92], %broadcast_in_dim3A_90 {strides = array<i32>} : memref<512x1xf32, #tpu.memory_space<vmem>>, vector<512x1xf32>,
      %broadcast_in_dim3A_94 = arith.constant 0x7F800000 : f32
      %broadcast_in_dim3A_95 = vector.broadcast %broadcast_in_dim3A_94 : f32 to vector<512x1xf32>
      %swap3A_96 = arith.constant 0 : index
      %swap3A_97 = arith.constant 0 : index
      %swap3A_98 = vector.load %arg9[%swap3A_96, %swap3A_97] : memref<512x1xf32, #tpu.memory_space<vmem>>, vector<512x1xf32>
      tpu.vector_store %arg9[%swap3A_96, %swap3A_97], %broadcast_in_dim3A_95 {strides = array<i32>} : memref<512x1xf32, #tpu.memory_space<vmem>>, vector<512x1xf32>,
      %broadcast_in_dim3A_99 = arith.constant 0 : i32
      %broadcast_in_dim3A_100 = vector.broadcast %broadcast_in_dim3A_99 : i32 to vector<512x1xi32>
      %swap3A_101 = arith.constant 0 : index
      %swap3A_102 = arith.constant 0 : index
      %swap3A_103 = vector.load %arg10[%swap3A_101, %swap3A_102] : memref<512x1xi32, #tpu.memory_space<vmem>>, vector<512x1xi32>
      tpu.vector_store %arg10[%swap3A_101, %swap3A_102], %broadcast_in_dim3A_100 {strides = array<i32>} : memref<512x1xi32, #tpu.memory_space<vmem>>, vector<512x1xi32>,
    } else {
    }
    %get3A_61 = arith.constant 0 : index
    %get3A_62 = arith.constant 0 : index
    %get3A_63 = vector.load %arg8[%get3A_61, %get3A_62] : memref<512x1xf32, #tpu.memory_space<vmem>>, vector<512x1xf32>
    %lt3A = arith.cmpf olt, %sqrt3A, %get3A_63 : vector<512x1xf32>
    %get3A_64 = arith.constant 0 : index
    %get3A_65 = arith.constant 0 : index
    %get3A_66 = vector.load %arg10[%get3A_64, %get3A_65] : memref<512x1xi32, #tpu.memory_space<vmem>>, vector<512x1xi32>
    %select_n3A_67 = arith.select %lt3A, %add3A_55, %get3A_66 : vector<512x1xi1>, vector<512x1xi32>
    %swap3A = arith.constant 0 : index
    %swap3A_68 = arith.constant 0 : index
    %swap3A_69 = vector.load %arg10[%swap3A, %swap3A_68] : memref<512x1xi32, #tpu.memory_space<vmem>>, vector<512x1xi32>
    tpu.vector_store %arg10[%swap3A, %swap3A_68], %select_n3A_67 {strides = array<i32>} : memref<512x1xi32, #tpu.memory_space<vmem>>, vector<512x1xi32>,
    %get3A_70 = arith.constant 0 : index
    %get3A_71 = arith.constant 0 : index
    %get3A_72 = vector.load %arg8[%get3A_70, %get3A_71] : memref<512x1xf32, #tpu.memory_space<vmem>>, vector<512x1xf32>
    %select_n3A_73 = arith.select %lt3A, %convert_element_type3A_56, %get3A_72 : vector<512x1xi1>, vector<512x1xf32>
    %swap3A_74 = arith.constant 0 : index
    %swap3A_75 = arith.constant 0 : index
    %swap3A_76 = vector.load %arg8[%swap3A_74, %swap3A_75] : memref<512x1xf32, #tpu.memory_space<vmem>>, vector<512x1xf32>
    tpu.vector_store %arg8[%swap3A_74, %swap3A_75], %select_n3A_73 {strides = array<i32>} : memref<512x1xf32, #tpu.memory_space<vmem>>, vector<512x1xf32>,
    %get3A_77 = arith.constant 0 : index
    %get3A_78 = arith.constant 0 : index
    %get3A_79 = vector.load %arg9[%get3A_77, %get3A_78] : memref<512x1xf32, #tpu.memory_space<vmem>>, vector<512x1xf32>
    %select_n3A_80 = arith.select %lt3A, %sqrt3A, %get3A_79 : vector<512x1xi1>, vector<512x1xf32>
    %swap3A_81 = arith.constant 0 : index
    %swap3A_82 = arith.constant 0 : index
    %swap3A_83 = vector.load %arg9[%swap3A_81, %swap3A_82] : memref<512x1xf32, #tpu.memory_space<vmem>>, vector<512x1xf32>
    tpu.vector_store %arg9[%swap3A_81, %swap3A_82], %select_n3A_80 {strides = array<i32>} : memref<512x1xf32, #tpu.memory_space<vmem>>, vector<512x1xf32>,
    %eq3A_84 = arith.constant 1 : i32
    %eq3A_85 = arith.cmpi eq, %arg1, %eq3A_84 : i32
    %convert_element_type3A_86 = arith.extui %eq3A_85 : i1 to i32
    %cond3A_87 = arith.constant 0 : i32
    %cond3A_88 = arith.cmpi ne, %convert_element_type3A_86, %cond3A_87 : i32
    scf.if %cond3A_88 {
      %get3A_89 = arith.constant 0 : index
      %get3A_90 = arith.constant 0 : index
      %get3A_91 = vector.load %arg10[%get3A_89, %get3A_90] : memref<512x1xi32, #tpu.memory_space<vmem>>, vector<512x1xi32>
      %swap3A_92 = arith.constant 0 : index
      %swap3A_93 = arith.constant 0 : index
      %swap3A_94 = vector.load %arg6[%swap3A_92, %swap3A_93] : memref<512x1xi32, #tpu.memory_space<vmem>>, vector<512x1xi32>
      tpu.vector_store %arg6[%swap3A_92, %swap3A_93], %get3A_91 {strides = array<i32>} : memref<512x1xi32, #tpu.memory_space<vmem>>, vector<512x1xi32>,
      %get3A_95 = arith.constant 0 : index
      %get3A_96 = arith.constant 0 : index
      %get3A_97 = vector.load %arg9[%get3A_95, %get3A_96] : memref<512x1xf32, #tpu.memory_space<vmem>>, vector<512x1xf32>
      %integer_pow3A = arith.mulf %get3A_97, %get3A_97 : vector<512x1xf32>
      %reduce_sum3A = vector.shape_cast %integer_pow3A : vector<512x1xf32> to vector<1x512x1xf32>
      %reduce_sum3A_98 = arith.constant dense<0.000000e+00> : vector<1xf32>
      %reduce_sum3A_99 = vector.multi_reduction <add>, %reduce_sum3A, %reduce_sum3A_98 [1, 2] : vector<1x512x1xf32> to vector<1xf32>
      %reduce_sum3A_100 = vector.shape_cast %reduce_sum3A_99 : vector<1xf32> to vector<1x1x1xf32>
      %reduce_sum3A_101 = vector.extract %reduce_sum3A_100[0, 0, 0] : f32 from vector<1x1x1xf32>
      %eq3A_102 = arith.constant 0 : i32
      %eq3A_103 = arith.cmpi eq, %arg0, %eq3A_102 : i32
      %convert_element_type3A_104 = arith.extui %eq3A_103 : i1 to i32
      %cond3A_105 = arith.constant 0 : i32
      %cond3A_106 = arith.cmpi ne, %convert_element_type3A_104, %cond3A_105 : i32
      scf.if %cond3A_106 {
        %swap3A_116 = arith.constant 0 : index
        %swap3A_117 = memref.load %arg11[%swap3A_116] : memref<1xf32, #tpu.memory_space<smem>>
        memref.store %reduce_sum3A_101, %arg11[%swap3A_116] : memref<1xf32, #tpu.memory_space<smem>>
      } else {
      }
      %ne3A = arith.constant 0 : i32
      %ne3A_107 = arith.cmpi ne, %arg0, %ne3A : i32
      %convert_element_type3A_108 = arith.extui %ne3A_107 : i1 to i32
      %cond3A_109 = arith.constant 0 : i32
      %cond3A_110 = arith.cmpi ne, %convert_element_type3A_108, %cond3A_109 : i32
      scf.if %cond3A_110 {
        %get3A_116 = arith.constant 0 : index
        %get3A_117 = memref.load %arg11[%get3A_116] : memref<1xf32, #tpu.memory_space<smem>>
        %add3A_118 = arith.addf %get3A_117, %reduce_sum3A_101 : f32
        %swap3A_119 = arith.constant 0 : index
        %swap3A_120 = memref.load %arg11[%swap3A_119] : memref<1xf32, #tpu.memory_space<smem>>
        memref.store %add3A_118, %arg11[%swap3A_119] : memref<1xf32, #tpu.memory_space<smem>>
      } else {
      }
      %eq3A_111 = arith.constant 15 : i32
      %eq3A_112 = arith.cmpi eq, %arg0, %eq3A_111 : i32
      %convert_element_type3A_113 = arith.extui %eq3A_112 : i1 to i32
      %cond3A_114 = arith.constant 0 : i32
      %cond3A_115 = arith.cmpi ne, %convert_element_type3A_113, %cond3A_114 : i32
      scf.if %cond3A_115 {
        %get3A_116 = arith.constant 0 : index
        %get3A_117 = memref.load %arg11[%get3A_116] : memref<1xf32, #tpu.memory_space<smem>>
        %swap3A_118 = arith.constant 0 : index
        %swap3A_119 = arith.constant 0 : index
        %swap3A_120 = memref.load %arg7[%swap3A_118, %swap3A_119] : memref<1x1xf32, #tpu.memory_space<smem>>
        memref.store %get3A_117, %arg7[%swap3A_118, %swap3A_119] : memref<1x1xf32, #tpu.memory_space<smem>>
      } else {
      }
    } else {
    }
    return
  }
  func.func @transform_0(%arg0: i32, %arg1: i32) -> (i32, i32) {
    %c0_i32 = arith.constant 0 : i32
    %c0_i32_0 = arith.constant 0 : i32
    return %arg0, %c0_i32 : i32, i32
  }
  func.func @transform_1(%arg0: i32, %arg1: i32) -> (i32, i32) {
    %c0_i32 = arith.constant 0 : i32
    %c0_i32_0 = arith.constant 0 : i32
    return %arg0, %c0_i32 : i32, i32
  }
  func.func @transform_2(%arg0: i32, %arg1: i32) -> (i32, i32) {
    %c0_i32 = arith.constant 0 : i32
    %c0_i32_0 = arith.constant 0 : i32
    return %arg1, %c0_i32 : i32, i32
  }
  func.func @transform_3(%arg0: i32, %arg1: i32) -> (i32, i32) {
    %c0_i32 = arith.constant 0 : i32
    %c0_i32_0 = arith.constant 0 : i32
    return %c0_i32, %arg1 : i32, i32
  }
  func.func @transform_4(%arg0: i32, %arg1: i32) -> (i32, i32) {
    %c0_i32 = arith.constant 0 : i32
    %c0_i32_0 = arith.constant 0 : i32
    return %arg0, %c0_i32 : i32, i32
  }
  func.func @transform_5(%arg0: i32, %arg1: i32) -> (i32, i32) {
    %c0_i32 = arith.constant 0 : i32
    %c0_i32_0 = arith.constant 0 : i32
    %c0_i32_1 = arith.constant 0 : i32
    return %c0_i32, %c0_i32_0 : i32, i32
  }
}

</mosaic_0001>

<sc_bundles>
// kernel: kernel.4.cloned.1.call-start
scs
__scs_entry_jumppad:
0x0: {  	(pc) =	sbr.rel $0x88, $3  }
0x1: {  	(tag) =	ssettag $0x0;
	lr =	simm.s32 $0x1  }
0x2: {  	[smem:$0x3F9E] =	sst lr;
	_ =	strace $0xD0000000  }
0x3: {  	_ = 	snop  }
0x4: {  	_ = 	snop  }
0x5: {  	_ = 	snop  }
0x6: {  	_ = 	snop  }
0x7: {  	_ = 	snop  }
__scs_overlays_trampoline_lowered:
0x8: {  	[smem:$0x3FAD] =	sst s0  }
0x9: {  	[smem:$0x3FAE] =	sst s1  }
0xa: {  	[smem:$0x3FAF] =	sst s2  }
0xb: {  	[smem:$0x3FB0] =	sst s3  }
0xc: {  	[smem:$0x3FB1] =	sst s4  }
0xd: {  	[smem:$0x3FB2] =	sst s5  }
0xe: {  	[smem:$0x3FB3] =	sst s6  }
0xf: {  	[smem:$0x3FB4] =	sst s7  }
0x10: {  	[smem:$0x3FB5] =	sst s8  }
0x11: {  	[smem:$0x3FB6] =	sst s9;
	s0 =	simm.s32 @!p0 $0x0  }
0x12: {  	s1 =	sld [smem:$0x3F9C];
	s0 =	simm.s32 @p0 $0x1  }
0x13: {  	[smem:$0x3FB7] =	sst s0;
	s0 =	simm.s32 @!p1 $0x0  }
0x14: {  	s2 =	sld [smem:$0x3F9B];
	s0 =	simm.s32 @p1 $0x1  }
0x15: {  	[smem:$0x3FB8] =	sst s0;
	s0 =	simm.s32 @!p2 $0x0  }
0x16: {  	s3 =	sld [smem:$0x3FDB];
	s0 =	simm.s32 @p2 $0x1  }
0x17: {  	s4 =	simm.s32 $0x1BF5;
	[smem:$0x3FBA] =	sst s0  }
0x18: {  	s0 =	sld [smem:$0x3F9D];
	_ =	swait.ge [sflag:s4], $0x0  }
0x19: {  	s7 =	sld [smem:$0x3F9E]  }
0x1a: {  	s8 =	sadd.s32 $0xFFFFE003, lr  }
0x1b: {  	s9 =	sadd.s32 $0xFFFFFEF7, lr;
	s5 =	simm.s32 $0xFFFFFFFF;
	p2 =	slt.u32 s8, $0xFFFFF086  }
0x1c: {  	p1 =	slt.u32 s9, $0xF7A;
	s5 =	simm.s32 @!p2 $0x0  }
0x1d: {  	s5 =	simm.s32 @p1 $0x1;
	p0 =	seq.s32 s7, s2  }
0x1e: {  	s7 =	smul.u32 @!p0 $0xF7A, s2;
	p2 =	seq.s32 @!p0 s5, $0x0  }
0x1f: {  	s9 =	smul.u32 $0xF7A, s1;
	s8 =	simm.s32 @!p0 $0x1BF5;
	p2 =	por !p2, p0  }
0x20: {  	[sflag:s8] =	ssyncset.s32 @!p0 $0xFFFFF086;
	s6 =	sadd.s32 @!p0 s3, s7;
	s7 =	simm.s32 @!p0 $0x108  }
0x21: {  	s3 =	sadd.s32 s3, s9;
	s6 =	sadd.s32 @!p0 $0x88, s6;
	s7 =	simm.s32 @p2 $0x1082  }
0x22: {  	[simem:s7], [sflag:s8] =	dma.local @!p0 [hbm:s6], $0xF7A  }
0x23: {  	s9 =	sor.u32 $0xD0000000, s2;
	s6 =	simm.s32 $0x108;
	_ =	swait.ge @!p0 [sflag:s8], $0x0  }
0x24: {  	s3 =	sadd.s32 $0x88, s3;
	s6 =	simm.s32 @!p1 $0x1082;
	[sflag:s4] =	ssyncset.s32 $0xFFFFF086  }
0x25: {  	[simem:s6], [sflag:s4] =	dma.local [hbm:s3], $0xF7A  }
0x26: {  	[smem:$0x3F9E] =	sst s1;
	(tag) =	ssettag s2;
	_ =	strace s9  }
0x27: {  	s1 =	sld [smem:$0x3FAE]  }
0x28: {  	s2 =	sld [smem:$0x3FAF]  }
0x29: {  	s4 =	sld [smem:$0x3FB1]  }
0x2a: {  	p0 =	seq.s32 s5, $0x0;
	s5 =	sld [smem:$0x3FB2]  }
0x2b: {  	s6 =	sld [smem:$0x3FB3]  }
0x2c: {  	s7 =	sld [smem:$0x3FB4]  }
0x2d: {  	s3 =	simm.s32 $0x108;
	s8 =	sld [smem:$0x3FB5]  }
0x2e: {  	s3 =	simm.s32 @!p0 $0x1082;
	s9 =	sld [smem:$0x3FB6]  }
0x2f: {  	lr =	sadd.s32 s0, s3;
	s0 =	sld [smem:$0x3FAD]  }
0x30: {  	s3 =	sld [smem:$0x3FB0]  }
0x31: {  	[smem:$0x3FB9] =	sst s10  }
0x32: {  	s10 =	sld [smem:$0x3FB7];
	_ =	sdelay $0x3  }
0x33: {  	p0 =	seq.s32 s10, $0x1;
	s10 =	sld [smem:$0x3FB9];
	_ =	sdelay $0x3  }
0x34: {  	[smem:$0x3FB9] =	sst s10  }
0x35: {  	s10 =	sld [smem:$0x3FB8];
	_ =	sdelay $0x3  }
0x36: {  	p1 =	seq.s32 s10, $0x1;
	s10 =	sld [smem:$0x3FB9];
	_ =	sdelay $0x3  }
0x37: {  	[smem:$0x3FB9] =	sst s10  }
0x38: {  	s10 =	sld [smem:$0x3FBA]  }
0x39: {  	_ = 	snop;
	(pc) =	sbr.ind lr, $3  }
0x3a: {  	_ = 	snop  }
0x3b: {  	_ = 	snop  }
0x3c: {  	p2 =	seq.s32 s10, $0x1;
	s10 =	sld [smem:$0x3FB9]  }
0x3d: {  	_ =	shalt  }
0x3e: {  	_ =	shalt  }
0x3f: {  	_ =	shalt  }
0x40: {  	_ =	shalt  }
0x41: {  	_ =	shalt  }
0x42: {  	_ =	shalt  }
0x43: {  	_ =	shalt  }
0x44: {  	_ =	shalt  }
0x45: {  	_ =	shalt  }
0x46: {  	_ =	shalt  }
0x47: {  	_ =	shalt  }
0x48: {  	_ =	shalt  }
0x49: {  	_ =	shalt  }
0x4a: {  	_ =	shalt  }
0x4b: {  	_ =	shalt  }
0x4c: {  	_ =	shalt  }
0x4d: {  	_ =	shalt  }
0x4e: {  	_ =	shalt  }
0x4f: {  	_ =	shalt  }
0x50: {  	_ =	shalt  }
0x51: {  	_ =	shalt  }
0x52: {  	_ =	shalt  }
0x53: {  	_ =	shalt  }
0x54: {  	_ =	shalt  }
0x55: {  	_ =	shalt  }
0x56: {  	_ =	shalt  }
0x57: {  	_ =	shalt  }
0x58: {  	_ =	shalt  }
0x59: {  	_ =	shalt  }
0x5a: {  	_ =	shalt  }
0x5b: {  	_ =	shalt  }
0x5c: {  	_ =	shalt  }
0x5d: {  	_ =	shalt  }
0x5e: {  	_ =	shalt  }
0x5f: {  	_ =	shalt  }
0x60: {  	_ =	shalt  }
0x61: {  	_ =	shalt  }
0x62: {  	_ =	shalt  }
0x63: {  	_ =	shalt  }
0x64: {  	_ =	shalt  }
0x65: {  	_ =	shalt  }
0x66: {  	_ =	shalt  }
0x67: {  	_ =	shalt  }
0x68: {  	_ =	shalt  }
0x69: {  	_ =	shalt  }
0x6a: {  	_ =	shalt  }
0x6b: {  	_ =	shalt  }
0x6c: {  	_ =	shalt  }
0x6d: {  	_ =	shalt  }
0x6e: {  	_ =	shalt  }
0x6f: {  	_ =	shalt  }
0x70: {  	_ =	shalt  }
0x71: {  	_ =	shalt  }
0x72: {  	_ =	shalt  }
0x73: {  	_ =	shalt  }
0x74: {  	_ =	shalt  }
0x75: {  	_ =	shalt  }
0x76: {  	_ =	shalt  }
0x77: {  	_ =	shalt  }
0x78: {  	_ =	shalt  }
0x79: {  	_ =	shalt  }
0x7a: {  	_ =	shalt  }
0x7b: {  	_ =	shalt  }
0x7c: {  	_ =	shalt  }
0x7d: {  	_ =	shalt  }
0x7e: {  	_ =	shalt  }
0x7f: {  	_ =	shalt  }
0x80: {  	_ =	shalt  }
0x81: {  	_ =	shalt  }
0x82: {  	_ =	shalt  }
0x83: {  	_ =	shalt  }
0x84: {  	_ =	shalt  }
0x85: {  	_ =	shalt  }
0x86: {  	_ =	shalt  }
0x87: {  	_ =	shalt  }
.Lfunc_end0:
.L_simem_size_0:
called_computation_lowered:
.L_overlay_start_0:
0x88: {  	s2 =	sld [smem:$0x3FD9]  }
0x89: {  	s3 =	sld [smem:$0x3FFE];
	_ =	sdelay $0x1  }
0x8a: {  	s1 =	srdreg.scid  }
0x8b: {  	s0 =	sand.u32 $0x1, s1  }
0x8c: {  	s14 =	sshll.u32 s0, $0xA;
	s2 =	sadd.s32 s3, s2  }
0x8d: {  	s2 =	sadd.s32 s2, s14  }
0x8e: {  	[smem:$0x3FC5] =	sst s2  }
0x8f: {  	_ = 	snop  }
0x90: {  	s2 =	sld [smem:$0x3FD0];
	_ =	sdelay $0x2  }
0x91: {  	s15 =	simm.s32 $0xA;
	s4 =	simm.s32 $0x10  }
0x92: {  	[smem:s4], [sflag:s15] =	dma.local [hbm:s2], $0x1  }
0x93: {  	_ =	swait.eq [sflag:s15], $0x1  }
0x94: {  	[sflag:s15] =	ssyncset.done $0x0  }
0x95: {  	[sflag:s15] =	ssyncadd.s32 $0xFFFFFFFF  }
0x96: {  	s16 =	sld [smem:$0x10];
	(tm) =	ssettm $0x1  }
0x97: {  	s17 =	sld [smem:$0x3FFB];
	_ =	sdelay $0x3  }
0x98: {  	_ =	strace s17  }
0x99: {  	s3 =	sld [smem:$0x3FFC];
	_ =	sdelay $0x3  }
0x9a: {  	_ =	strace s3  }
0x9b: {  	s3 =	sld [smem:$0x3FFD];
	_ =	sdelay $0x3  }
0x9c: {  	_ =	strace s3  }
0x9d: {  	_ =	strace $0x8FFFFFFF  }
0x9e: {  	s18 =	sld [smem:$0x3FDB];
	_ =	sdelay $0x1  }
0x9f: {  	s19 =	simm.s32 $_scs_section_size  }
0xa0: {  	s5 =	simm.s32 $_size__tile_overlayer_lowered;
	s6 =	simm.s32 $_tile_overlayer_lowered  }
0xa1: {  	s22 =	simm.s32 $0x1BFF;
	s21 =	sshll.u32 s6, $0x1;
	s3 =	sadd.s32 s19, s18  }
0xa2: {  	s7 =	simm.s32 $0x0;
	s20 =	sshll.u32 s5, $0x1;
	s5 =	sadd.s32 s21, s3  }
0xa3: {  	[timem:s7], [sflag:s22] =	dma.local [hbm:s5], s20  }
0xa4: {  	_ =	swait.ge [sflag:s22], s20  }
0xa5: {  	s4 =	ssub.s32 $0x0, s20;
	[sflag:s22] =	ssyncset.done $0x0  }
0xa6: {  	[sflag:s22] =	ssyncadd.s32 s4;
	_ =	sdelay $0x1  }
0xa7: {  	s23 =	simm.s32 $0x1B8B  }
0xa8: {  	_ =	swait.ge [sflag:s23], $0x1  }
0xa9: {  	[sflag:s23] =	ssyncset.done $0x0  }
0xaa: {  	s25 =	simm.s32 $0x1B8E;
	s24 =	sld [smem:$0x3FFE];
	[sflag:s23] =	ssyncadd.s32 $0xFFFFFFFF  }
0xab: {  	s26 =	simm.s32 $execute0_lowered;
	[smem:$0x3FD2] =	sst s25  }
0xac: {  	s5 =	sshll.u32 s26, $0x1;
	_ =	strace $0x80000046;
	[dreg:$0x1] =	wrdreg $0xFFFFFFFF  }
0xad: {  	s28 =	simm.s32 $_size_execute0_lowered;
	s3 =	sadd.s32 s3, s5;
	[dreg:$0x0] =	wrdreg $0x0  }
0xae: {  	s5 =	sshll.u32 s28, $0x1;
	[dreg:$0x2] =	wrdreg s3  }
0xaf: {  	[dreg:$0x3] =	wrdreg s5  }
0xb0: {  	[dreg:$0x4] =	wrdreg $0xC0  }
0xb1: {  	_ =	task [dreg:s7], $0x5FFFF  }
0xb2: {  	[dreg:$0x1] =	wrdreg $0xFFFFFFFF  }
0xb3: {  	[dreg:$0x0] =	wrdreg $0x60  }
0xb4: {  	[dreg:$0x2] =	wrdreg s16  }
0xb5: {  	[dreg:$0x3] =	wrdreg s24  }
0xb6: {  	[dreg:$0x4] =	wrdreg $0x9  }
0xb7: {  	_ =	task.clear_ibuf [dreg:s7], $0x5FFFF;
	_ =	strace $0x90000046  }
0xb8: {  	s29 =	simm.s32 $0x9;
	_ =	strace $0x80000048  }
0xb9: {  	_ =	swait.ge [sflag:s29], $0x1  }
0xba: {  	[sflag:s29] =	ssyncadd.s32 $0xFFFFFFFF  }
0xbb: {  	_ =	strace $0x90000048  }
0xbc: {  	_ =	sfence  }
0xbd: {  	s30 =	sld [smem:$0x0];
	_ =	sdelay $0x2  }
0xbe: {  	s31 =	sshll.u32 s1, $0xD;
	s1 =	sshrl.u32 s1, $0x2  }
0xbf: {  	s3 =	sand.u32 $0x4000, s31;
	s1 =	sadd.s32 s1, s30  }
0xc0: {  	s0 =	sor.u32 s3, s0;
	s1 =	sshll.u32 s1, $0x11  }
0xc1: {  	s0 =	sor.u32 s1, s0  }
0xc2: {  	s0 =	sadd.s32 $0x8F2B, s0  }
0xc3: {  	[sflag:s0] =	ssyncadd.remote.s32 $0x1  }
0xc4: {  	_ =	sfence.sel $0xFFFF  }
0xc5: {  	[dreg:$0x0] =	wrdreg $0xFFFFFFFF;
	(pc) =	sbr.abs _section_cstart, $3  }
0xc6: {  	[dreg:$0x1] =	wrdreg $0xFFFFFFFF  }
0xc7: {  	_ =	task.clear_ibuf [dreg:s7], $0x2FFFF;
	_ =	strace $0x9FFFFFFF  }
0xc8: {  	(tm) =	ssettm $0x7FFFFFFF  }
0xc9: {  	_ =	shalt  }
tec
execute0_lowered:
.L_overlay_start_1:
0x0: {  	(tag) =	ssettag $0x1  }
0x1: {  	s2 =	rddreg [dreg:$0x0]  }
0x2: {  	s1 =	srdreg.scid;
	s0 =	stileid.u32  }
0x3: {  	s10 =	rddreg [dreg:$0x1];
	s11 =	sand.u32 $0x1, s1;
	s4 =	sshll.u32 s0, $0x1  }
0x4: {  	s3 =	simm.s32 $0x0;
	s1 =	rddreg [dreg:$0x2];
	s12 =	sor.u32 s11, s4  }
0x5: {  	[smem:$0x7FF] =	sst s3;
	s4 =	sshll.u32 s12, $0x5  }
0x6: {  	_ =	strace $0x80000047;
	s5 =	sadd.s32 s10, s4;
	s4 =	simm.s32 $0x2  }
0x7: {  	[tilespmem:s3], [sflag:$0x2] =	stream.linear.gather [hbm4b:s5+s3], $0x100, $0x38;
	[tilespmem:$0x8100] =	vst v63  }
0x8: {  	_ =	swait.ge [sflag:s4], $0x100  }
0x9: {  	[sflag:s4] =	ssyncset.done $0x0  }
0xa: {  	s6 =	simm.s32 $0x80;
	s7 =	simm.s32 $0x100;
	[sflag:s4] =	ssyncadd.s32 $0xFFFFFF00  }
0xb: {  	[tilespmem:s7], [sflag:$0x1] =	stream.indirect.gather [hbm4b:s2+s6], $0x80, s3, s6, $0xb8;
	[tilespmem:$0x8100] =	vst v63  }
0xc: {  	s8 =	simm.s32 $0x4100;
	s9 =	simm.s32 $0x1;
	s11 =	ssub.s32 $0x2, s11  }
0xd: {  	[tilespmem:s8], [sflag:$0x1] =	stream.indirect.gather [hbm4b:s2+s6], $0x80, s6, s6, $0xb8;
	[tilespmem:$0x8100] =	vst v63  }
0xe: {  	s13 =	sshrl.u32 s11, $0x1;
	_ =	swait.ge [sflag:s9], $0x4000  }
0xf: {  	s11 =	ssub.s32 s11, s13;
	[sflag:s9] =	ssyncset.done $0x0  }
0x10: {  	s11 =	smax.u32 s11, $0x1;
	[sflag:s9] =	ssyncadd.s32 $0xFFFFC000  }
0x11: {  	s12 =	sshll.u32 s12, $0xC;
	p0 =	sne.s32 s11, $0x1;
	_ =	swait.ge [sflag:s9], $0x4000  }
.Ltmp0:
0x12: {  	s10 =	sadd.s32 s12, s10;
	[sflag:s9] =	ssyncset.done $0x0;
	(pc) =	sbr.rel @!p0 .LBB2_2-.Ltmp0, $4  }
0x13: {  	s10 =	sadd.s32 $0x400, s10;
	[sflag:s9] =	ssyncadd.s32 $0xFFFFC000  }
0x14: {  	[hbm4b:s10+s3] =	stream.linear.scatter [tilespmem:s7], [sflag:$0x2], $0x8000, $0x38;
	[tilespmem:$0x8100] =	vst v63  }
0x15: {  	_ =	swait.ge [sflag:s4], $0x8000  }
0x16: {  	s11 =	sadd.s32 $0xFFFFFFFF, s11;
	[sflag:s4] =	ssyncset.done $0x0  }
.LBB2_1:
0x17: {  	p0 =	sne.s32 s11, $0x1;
	s11 =	sadd.s32 $0xFFFFFFFF, s11;
	[sflag:s4] =	ssyncadd.s32 $0xFFFF8000  }
0x18: {  	[tilespmem:s3], [sflag:$0x2] =	stream.linear.gather [hbm4b:s5+s3], $0x100, $0x38;
	[tilespmem:$0x8100] =	vst v63  }
0x19: {  	_ =	swait.ge [sflag:s4], $0x100  }
0x1a: {  	[sflag:s4] =	ssyncset.done $0x0  }
0x1b: {  	[sflag:s4] =	ssyncadd.s32 $0xFFFFFF00  }
0x1c: {  	[tilespmem:s7], [sflag:$0x1] =	stream.indirect.gather [hbm4b:s2+s6], $0x80, s3, s6, $0xb8;
	[tilespmem:$0x8100] =	vst v63  }
0x1d: {  	_ = 	snop  }
0x1e: {  	[tilespmem:s8], [sflag:$0x1] =	stream.indirect.gather [hbm4b:s2+s6], $0x80, s6, s6, $0xb8;
	[tilespmem:$0x8100] =	vst v63  }
0x1f: {  	_ =	swait.ge [sflag:s9], $0x4000  }
0x20: {  	[sflag:s9] =	ssyncset.done $0x0  }
0x21: {  	[sflag:s9] =	ssyncadd.s32 $0xFFFFC000  }
0x22: {  	_ =	swait.ge [sflag:s9], $0x4000  }
.Ltmp1:
0x23: {  	[sflag:s9] =	ssyncset.done $0x0;
	(pc) =	sbr.rel @p0 .LBB2_1-.Ltmp1, $4  }
0x24: {  	[sflag:s9] =	ssyncadd.s32 $0xFFFFC000  }
0x25: {  	[hbm4b:s10+s3] =	stream.linear.scatter [tilespmem:s7], [sflag:$0x2], $0x8000, $0x38;
	[tilespmem:$0x8100] =	vst v63  }
0x26: {  	_ =	swait.ge [sflag:s4], $0x8000  }
0x27: {  	[sflag:s4] =	ssyncset.done $0x0  }
.LBB2_2:
0x28: {  	[sflag:s4] =	ssyncadd.s32 $0xFFFF8000  }
0x29: {  	_ =	sfence.sel $0x180000  }
0x2a: {  	[bflag:$0x0] =	sbarrier.arrive $0xFFFF  }
0x2b: {  	p0 =	sne.s32 s0, $0x0;
	_ =	strace $0x90000047  }
0x2c: {  	s0 =	sadd.s32 @!p0 $0x100000, s1;
	[bflag:$0x2] =	sbarrier.arrive $0xFFFF  }
0x2d: {  	[sflag:s0] =	ssyncadd.tile.s32 @!p0 $0x1;
	_ =	shalt  }
.Lfunc_end2:
_tile_overlayer_lowered:
.L_overlay_start_2:
0x2e: {  	(tag) =	ssettag $0x2  }
0x2f: {  	s0 =	rddreg [dreg:$0x0];
	s2 =	stileid.u32  }
0x30: {  	s1 =	rddreg [dreg:$0x1];
	p0 =	sne.s32 s2, $0x0  }
0x31: {  	s3 =	rddreg [dreg:$0x2];
	[bflag:$0x3] =	sbarrier.arrive $0xFFFF;
	s2 =	simm.s32 @!p0 $0x1C02  }
0x32: {  	[timem:s3], [sflag:s2] =	dma.local @!p0 [hbm:s0], s1  }
0x33: {  	s0 =	simm.s32 @!p0 $0x2  }
0x34: {  	_ =	swait.ge @!p0 [sflag:s0], s1  }
0x35: {  	s1 =	ssub.s32 @!p0 $0x0, s1;
	[sflag:s0] =	ssyncset.done @!p0 $0x0  }
0x36: {  	[sflag:s0] =	ssyncadd.s32 @!p0 s1  }
0x37: {  	[bflag:$0x3] =	sbarrier.arrive $0xFFFF  }
0x38: {  	_ =	shalt  }

</sc_bundles>
